<compile_context>
chip_gen: v7x
topology: tpu7x:2x2x1
jax: 0.10.2.dev20260603
libtpu: 0.0.44.dev20260713+nightly
codegen_flags: <defaults>
</compile_context>

<pallas_src>
import numpy as np
import jax
import jax.numpy as jnp
from jax import lax
from jax.experimental import pallas as pl

B = 4096
L = 200
CH = 25
G = L // CH
NL = CH * 20
R = B * G
PR = 1024
PB = PR // G
K1 = 5 * CH
K2 = K1 + 8 * CH
KS = K2 + 7 + 48 + 8


def _build_S(weekday_W, start_time_W, sem_pt_W, fc_W):
    rows, cols, kind = [], [], []
    k = np.arange(CH)
    for c in range(5):
        rows.append(c * CH + k)
        cols.append(20 * k + c)
        kind.append(np.full(CH, -1))
    for cat in range(1, 9):
        for j in range(3):
            rows.append(K1 + (cat - 1) * CH + k)
            cols.append(20 * k + 17 + j)
            kind.append(np.full(CH, 100 * cat + j))
    for t in range(7):
        for j in range(3):
            rows.append(np.full(CH, K2 + t))
            cols.append(20 * k + 5 + j)
            kind.append(np.full(CH, 1000 + 10 * t + j))
    for t in range(48):
        for j in range(6):
            rows.append(np.full(CH, K2 + 7 + t))
            cols.append(20 * k + 8 + j)
            kind.append(np.full(CH, 2000 + 10 * t + j))
    for r in range(8):
        for j in range(3):
            rows.append(np.full(CH, K2 + 55 + r))
            cols.append(20 * k + 14 + j)
            kind.append(np.full(CH, 5000 + 10 * r + j))
    rows = np.concatenate(rows)
    cols = np.concatenate(cols)
    kind = np.concatenate(kind)
    ones = kind == -1
    cat = np.where(ones, 1, kind // 100) % 10 * 0
    vals = jnp.where(
        jnp.asarray(ones), 1.0,
        jnp.where(jnp.asarray(kind >= 5000),
                  fc_W[np.maximum(kind - 5000, 0) % 10,
                       np.maximum(kind - 5000, 0) // 10],
                  jnp.where(jnp.asarray(kind >= 2000),
                            start_time_W[np.maximum(kind - 2000, 0) // 10,
                                         np.maximum(kind - 2000, 0) % 10],
                            jnp.where(jnp.asarray(kind >= 1000),
                                      weekday_W[np.maximum(kind - 1000, 0) // 10,
                                                np.maximum(kind - 1000, 0) % 10],
                                      sem_pt_W[np.maximum(kind, 0) // 100,
                                               np.maximum(kind, 0) % 100]))))
    return jnp.zeros((KS, NL), jnp.float32).at[rows, cols].set(vals)


def _build_S2(weekday_W, start_time_W, fc_W):
    S2 = jnp.zeros((63, 12), jnp.float32)
    S2 = S2.at[0:7, 0:3].set(weekday_W)
    S2 = S2.at[7:55, 3:9].set(start_time_W)
    S2 = S2.at[55:63, 9:12].set(fc_W.T)
    return S2


def _body(lngs_r, lats_r, td_r, spd_r, az_r, spt_r, wde_r, ste_r, semOe_r,
          wd2_r, st2_r, semO2_r, S_r, S2_r, out_r, traj_r):
    spt = spt_r[...]
    pieces = [lngs_r[...], lats_r[...], td_r[...], spd_r[...], az_r[...]]
    pieces += [(spt == kcat).astype(jnp.float32) for kcat in range(1, 9)]
    pieces.append((wde_r[...] == lax.broadcasted_iota(jnp.int32, (PR, 7), 1)
                   ).astype(jnp.float32))
    pieces.append((ste_r[...] == lax.broadcasted_iota(jnp.int32, (PR, 48), 1)
                   ).astype(jnp.float32))
    pieces.append(semOe_r[...])
    X = jnp.concatenate(pieces, axis=1)
    out_r[...] = lax.dot_general(
        X, S_r[...], (((1,), (0,)), ((), ())),
        preferred_element_type=jnp.float32)

    X2 = jnp.concatenate(
        [(wd2_r[...] == lax.broadcasted_iota(jnp.int32, (PB, 7), 1)
          ).astype(jnp.float32),
         (st2_r[...] == lax.broadcasted_iota(jnp.int32, (PB, 48), 1)
          ).astype(jnp.float32),
         semO2_r[...]], axis=1)
    traj_r[...] = lax.dot_general(
        X2, S2_r[...], (((1,), (0,)), ((), ())),
        preferred_element_type=jnp.float32)


@jax.jit
def kernel(weekday, start_time, sem_O, lngs, lats, travel_dis, spd, azimuth,
           sem_pt, weekday_W, start_time_W, sem_pt_W, fc_W):
    wd = weekday.astype(jnp.int32)
    st = start_time.astype(jnp.int32)
    flat = lambda x: x.reshape(R, CH)
    wde = jnp.repeat(wd, G).reshape(R, 1)
    ste = jnp.repeat(st, G).reshape(R, 1)
    semOe = jnp.repeat(sem_O, G, axis=0)
    S = _build_S(weekday_W, start_time_W, sem_pt_W, fc_W)
    S2 = _build_S2(weekday_W, start_time_W, fc_W)

    grid = (R // PR,)
    row = lambda i: (i, 0)
    full = lambda i: (0, 0)
    rblk = lambda w: pl.BlockSpec((PR, w), row)
    bblk = lambda w: pl.BlockSpec((PB, w), row)
    out, traj = pl.pallas_call(
        _body,
        grid=grid,
        in_specs=[
            rblk(CH), rblk(CH), rblk(CH), rblk(CH), rblk(CH), rblk(CH),
            rblk(1), rblk(1), rblk(8),
            bblk(1), bblk(1), bblk(8),
            pl.BlockSpec((KS, NL), full),
            pl.BlockSpec((63, 12), full),
        ],
        out_specs=[
            pl.BlockSpec((PR, NL), row),
            pl.BlockSpec((PB, 12), row),
        ],
        out_shape=[
            jax.ShapeDtypeStruct((R, NL), jnp.float32),
            jax.ShapeDtypeStruct((B, 12), jnp.float32),
        ],
    )(flat(lngs), flat(lats), flat(travel_dis), flat(spd), flat(azimuth),
      flat(sem_pt.astype(jnp.int32)), wde, ste, semOe,
      wd.reshape(B, 1), st.reshape(B, 1), sem_O, S, S2)
    return (out.reshape(B, L, 20), traj)

# --- scband reference (transcript-rebuilt; emitter-appended) ---
"""Pipeline reference for scband-input-module-58394375356682 (READ-ONLY COPY).

The authoritative reference and input builder live on the scoring server;
editing this copy changes nothing except your own understanding.
"""

import jax, jax.numpy as jnp
import numpy as np

B = 4096
L = 200


def setup_inputs(seed: int = 0) -> dict:
    key = jax.random.key(seed)
    ks = jax.random.split(key, 14)
    inp = {}
    inp["weekday"] = jax.random.randint(ks[0], (B,), 0, 7)
    inp["start_time"] = jax.random.randint(ks[1], (B,), 0, 48)
    inp["sem_O"] = jax.random.normal(ks[2], (B, 8), dtype=jnp.float32)
    inp["lngs"] = jax.random.normal(ks[3], (B, L), dtype=jnp.float32)
    inp["lats"] = jax.random.normal(ks[4], (B, L), dtype=jnp.float32)
    inp["travel_dis"] = jax.random.uniform(ks[5], (B, L), dtype=jnp.float32)
    inp["spd"] = jax.random.uniform(ks[6], (B, L), dtype=jnp.float32)
    inp["azimuth"] = jax.random.uniform(ks[7], (B, L), dtype=jnp.float32)
    inp["sem_pt"] = jax.random.randint(ks[8], (B, L), 0, 9)
    # learned parameters
    inp["weekday_W"] = jax.random.normal(ks[9], (7, 3), dtype=jnp.float32)
    inp["start_time_W"] = jax.random.normal(ks[10], (48, 6), dtype=jnp.float32)
    sem_pt_W = jax.random.normal(ks[11], (9, 3), dtype=jnp.float32)
    inp["sem_pt_W"] = sem_pt_W.at[0].set(0.0)  # padding_idx=0
    inp["fc_W"] = jax.random.normal(ks[12], (3, 8), dtype=jnp.float32) * 0.1
    return inp


def reference(weekday, start_time, sem_O, lngs, lats, travel_dis, spd, azimuth,
              sem_pt, weekday_W, start_time_W, sem_pt_W, fc_W):
    # locs = cat(lngs[..., None], lats[..., None], dim=2)
    locs = jnp.concatenate([lngs[..., None], lats[..., None]], axis=2)  # [B, L, 2]

    # time/attr embeddings
    wd = jnp.take(weekday_W, weekday, axis=0)          # [B, 3]
    st = jnp.take(start_time_W, start_time, axis=0)    # [B, 6]

    # is_semantic branch
    sem = sem_O @ fc_W.T                               # Linear(8,3,bias=False) -> [B, 3]
    traj_semantic = jnp.concatenate([wd, st, sem], axis=1)  # [B, 12]

    expand_traj_semantic = jnp.broadcast_to(
        traj_semantic[:, None, :],
        (locs.shape[0], locs.shape[1], traj_semantic.shape[-1]))  # [B, L, 12]

    # sem_pt embedding with padding_idx=0 (row 0 forced to zero)
    sem_pt_tab = sem_pt_W.at[0].set(0.0)
    sem_pt_emb = jnp.take(sem_pt_tab, sem_pt, axis=0)  # [B, L, 3]

    semantic = jnp.concatenate([expand_traj_semantic, sem_pt_emb], axis=2)  # [B, L, 15]

    input_tensor = jnp.concatenate(
        [locs, travel_dis[..., None], spd[..., None], azimuth[..., None], semantic],
        axis=2)  # [B, L, 20]

    return (input_tensor, traj_semantic)

if __name__ == "__main__":
    import jax
    _d = setup_inputs()
    print(jax.jit(kernel)(*tuple(_d.values())))

</pallas_src>

<mosaic_0001>
module attributes {stable_mosaic.version = 14 : i64} {
  func.func @_body(%arg0: i32, %arg1: memref<1024x25xf32, #tpu.memory_space<vmem>>, %arg2: memref<1024x25xf32, #tpu.memory_space<vmem>>, %arg3: memref<1024x25xf32, #tpu.memory_space<vmem>>, %arg4: memref<1024x25xf32, #tpu.memory_space<vmem>>, %arg5: memref<1024x25xf32, #tpu.memory_space<vmem>>, %arg6: memref<1024x25xi32, #tpu.memory_space<vmem>>, %arg7: memref<1024x1xi32, #tpu.memory_space<vmem>>, %arg8: memref<1024x1xi32, #tpu.memory_space<vmem>>, %arg9: memref<1024x8xf32, #tpu.memory_space<vmem>>, %arg10: memref<128x1xi32, #tpu.memory_space<vmem>>, %arg11: memref<128x1xi32, #tpu.memory_space<vmem>>, %arg12: memref<128x8xf32, #tpu.memory_space<vmem>>, %arg13: memref<388x500xf32, #tpu.memory_space<vmem>>, %arg14: memref<63x12xf32, #tpu.memory_space<vmem>>, %arg15: memref<1024x500xf32, #tpu.memory_space<vmem>>, %arg16: memref<128x12xf32, #tpu.memory_space<vmem>>) attributes {dimension_semantics = [#tpu.dimension_semantics<arbitrary>], iteration_bounds = array<i64: 32>, scalar_prefetch = 0 : i64, scratch_operands = 0 : i64, tpu.core_type = #tpu.core_type<tc>, window_params = [{transform_indices = @transform_0, window_bounds = array<i64: 1024, 25>}, {transform_indices = @transform_1, window_bounds = array<i64: 1024, 25>}, {transform_indices = @transform_2, window_bounds = array<i64: 1024, 25>}, {transform_indices = @transform_3, window_bounds = array<i64: 1024, 25>}, {transform_indices = @transform_4, window_bounds = array<i64: 1024, 25>}, {transform_indices = @transform_5, window_bounds = array<i64: 1024, 25>}, {transform_indices = @transform_6, window_bounds = array<i64: 1024, 1>}, {transform_indices = @transform_7, window_bounds = array<i64: 1024, 1>}, {transform_indices = @transform_8, window_bounds = array<i64: 1024, 8>}, {transform_indices = @transform_9, window_bounds = array<i64: 128, 1>}, {transform_indices = @transform_10, window_bounds = array<i64: 128, 1>}, {transform_indices = @transform_11, window_bounds = array<i64: 128, 8>}, {pipeline_mode = #tpu.pipeline_mode<synchronous>, transform_indices = @transform_12, window_bounds = array<i64: 388, 500>}, {pipeline_mode = #tpu.pipeline_mode<synchronous>, transform_indices = @transform_13, window_bounds = array<i64: 63, 12>}, {transform_indices = @transform_14, window_bounds = array<i64: 1024, 500>}, {transform_indices = @transform_15, window_bounds = array<i64: 128, 12>}]} {
    %get3A = arith.constant 0 : index
    %get3A_0 = arith.constant 0 : index
    %get3A_1 = vector.load %arg6[%get3A, %get3A_0] : memref<1024x25xi32, #tpu.memory_space<vmem>>, vector<1024x25xi32>
    %get3A_2 = arith.constant 0 : index
    %get3A_3 = arith.constant 0 : index
    %get3A_4 = vector.load %arg1[%get3A_2, %get3A_3] : memref<1024x25xf32, #tpu.memory_space<vmem>>, vector<1024x25xf32>
    %get3A_5 = arith.constant 0 : index
    %get3A_6 = arith.constant 0 : index
    %get3A_7 = vector.load %arg2[%get3A_5, %get3A_6] : memref<1024x25xf32, #tpu.memory_space<vmem>>, vector<1024x25xf32>
    %get3A_8 = arith.constant 0 : index
    %get3A_9 = arith.constant 0 : index
    %get3A_10 = vector.load %arg3[%get3A_8, %get3A_9] : memref<1024x25xf32, #tpu.memory_space<vmem>>, vector<1024x25xf32>
    %get3A_11 = arith.constant 0 : index
    %get3A_12 = arith.constant 0 : index
    %get3A_13 = vector.load %arg4[%get3A_11, %get3A_12] : memref<1024x25xf32, #tpu.memory_space<vmem>>, vector<1024x25xf32>
    %get3A_14 = arith.constant 0 : index
    %get3A_15 = arith.constant 0 : index
    %get3A_16 = vector.load %arg5[%get3A_14, %get3A_15] : memref<1024x25xf32, #tpu.memory_space<vmem>>, vector<1024x25xf32>
    %eq3A = arith.constant 1 : i32
    %eq3A_17 = vector.broadcast %eq3A : i32 to vector<1024x25xi32>
    %eq3A_18 = arith.cmpi eq, %get3A_1, %eq3A_17 : vector<1024x25xi32>
    %convert_element_type3A = arith.extui %eq3A_18 : vector<1024x25xi1> to vector<1024x25xi32>
    %convert_element_type3A_19 = arith.sitofp %convert_element_type3A : vector<1024x25xi32> to vector<1024x25xf32>
    %eq3A_20 = arith.constant 2 : i32
    %eq3A_21 = vector.broadcast %eq3A_20 : i32 to vector<1024x25xi32>
    %eq3A_22 = arith.cmpi eq, %get3A_1, %eq3A_21 : vector<1024x25xi32>
    %convert_element_type3A_23 = arith.extui %eq3A_22 : vector<1024x25xi1> to vector<1024x25xi32>
    %convert_element_type3A_24 = arith.sitofp %convert_element_type3A_23 : vector<1024x25xi32> to vector<1024x25xf32>
    %eq3A_25 = arith.constant 3 : i32
    %eq3A_26 = vector.broadcast %eq3A_25 : i32 to vector<1024x25xi32>
    %eq3A_27 = arith.cmpi eq, %get3A_1, %eq3A_26 : vector<1024x25xi32>
    %convert_element_type3A_28 = arith.extui %eq3A_27 : vector<1024x25xi1> to vector<1024x25xi32>
    %convert_element_type3A_29 = arith.sitofp %convert_element_type3A_28 : vector<1024x25xi32> to vector<1024x25xf32>
    %eq3A_30 = arith.constant 4 : i32
    %eq3A_31 = vector.broadcast %eq3A_30 : i32 to vector<1024x25xi32>
    %eq3A_32 = arith.cmpi eq, %get3A_1, %eq3A_31 : vector<1024x25xi32>
    %convert_element_type3A_33 = arith.extui %eq3A_32 : vector<1024x25xi1> to vector<1024x25xi32>
    %convert_element_type3A_34 = arith.sitofp %convert_element_type3A_33 : vector<1024x25xi32> to vector<1024x25xf32>
    %eq3A_35 = arith.constant 5 : i32
    %eq3A_36 = vector.broadcast %eq3A_35 : i32 to vector<1024x25xi32>
    %eq3A_37 = arith.cmpi eq, %get3A_1, %eq3A_36 : vector<1024x25xi32>
    %convert_element_type3A_38 = arith.extui %eq3A_37 : vector<1024x25xi1> to vector<1024x25xi32>
    %convert_element_type3A_39 = arith.sitofp %convert_element_type3A_38 : vector<1024x25xi32> to vector<1024x25xf32>
    %eq3A_40 = arith.constant 6 : i32
    %eq3A_41 = vector.broadcast %eq3A_40 : i32 to vector<1024x25xi32>
    %eq3A_42 = arith.cmpi eq, %get3A_1, %eq3A_41 : vector<1024x25xi32>
    %convert_element_type3A_43 = arith.extui %eq3A_42 : vector<1024x25xi1> to vector<1024x25xi32>
    %convert_element_type3A_44 = arith.sitofp %convert_element_type3A_43 : vector<1024x25xi32> to vector<1024x25xf32>
    %eq3A_45 = arith.constant 7 : i32
    %eq3A_46 = vector.broadcast %eq3A_45 : i32 to vector<1024x25xi32>
    %eq3A_47 = arith.cmpi eq, %get3A_1, %eq3A_46 : vector<1024x25xi32>
    %convert_element_type3A_48 = arith.extui %eq3A_47 : vector<1024x25xi1> to vector<1024x25xi32>
    %convert_element_type3A_49 = arith.sitofp %convert_element_type3A_48 : vector<1024x25xi32> to vector<1024x25xf32>
    %eq3A_50 = arith.constant 8 : i32
    %eq3A_51 = vector.broadcast %eq3A_50 : i32 to vector<1024x25xi32>
    %eq3A_52 = arith.cmpi eq, %get3A_1, %eq3A_51 : vector<1024x25xi32>
    %convert_element_type3A_53 = arith.extui %eq3A_52 : vector<1024x25xi1> to vector<1024x25xi32>
    %convert_element_type3A_54 = arith.sitofp %convert_element_type3A_53 : vector<1024x25xi32> to vector<1024x25xf32>
    %get3A_55 = arith.constant 0 : index
    %get3A_56 = arith.constant 0 : index
    %get3A_57 = vector.load %arg7[%get3A_55, %get3A_56] : memref<1024x1xi32, #tpu.memory_space<vmem>>, vector<1024x1xi32>
    %iota3A = tpu.iota {dimensions = array<i32: 1>} : vector<1024x7xi32>
    %eq3A_58 = vector.broadcast %get3A_57 : vector<1024x1xi32> to vector<1024x7xi32>
    %eq3A_59 = arith.cmpi eq, %eq3A_58, %iota3A : vector<1024x7xi32>
    %convert_element_type3A_60 = arith.extui %eq3A_59 : vector<1024x7xi1> to vector<1024x7xi32>
    %convert_element_type3A_61 = arith.sitofp %convert_element_type3A_60 : vector<1024x7xi32> to vector<1024x7xf32>
    %get3A_62 = arith.constant 0 : index
    %get3A_63 = arith.constant 0 : index
    %get3A_64 = vector.load %arg8[%get3A_62, %get3A_63] : memref<1024x1xi32, #tpu.memory_space<vmem>>, vector<1024x1xi32>
    %iota3A_65 = tpu.iota {dimensions = array<i32: 1>} : vector<1024x48xi32>
    %eq3A_66 = vector.broadcast %get3A_64 : vector<1024x1xi32> to vector<1024x48xi32>
    %eq3A_67 = arith.cmpi eq, %eq3A_66, %iota3A_65 : vector<1024x48xi32>
    %convert_element_type3A_68 = arith.extui %eq3A_67 : vector<1024x48xi1> to vector<1024x48xi32>
    %convert_element_type3A_69 = arith.sitofp %convert_element_type3A_68 : vector<1024x48xi32> to vector<1024x48xf32>
    %get3A_70 = arith.constant 0 : index
    %get3A_71 = arith.constant 0 : index
    %get3A_72 = vector.load %arg9[%get3A_70, %get3A_71] : memref<1024x8xf32, #tpu.memory_space<vmem>>, vector<1024x8xf32>
    %concatenate3A = tpu.concatenate %get3A_4, %get3A_7, %get3A_10, %get3A_13, %get3A_16, %convert_element_type3A_19, %convert_element_type3A_24, %convert_element_type3A_29, %convert_element_type3A_34, %convert_element_type3A_39, %convert_element_type3A_44, %convert_element_type3A_49, %convert_element_type3A_54, %convert_element_type3A_61, %convert_element_type3A_69, %get3A_72 in 1 : vector<1024x25xf32>, vector<1024x25xf32>, vector<1024x25xf32>, vector<1024x25xf32>, vector<1024x25xf32>, vector<1024x25xf32>, vector<1024x25xf32>, vector<1024x25xf32>, vector<1024x25xf32>, vector<1024x25xf32>, vector<1024x25xf32>, vector<1024x25xf32>, vector<1024x25xf32>, vector<1024x7xf32>, vector<1024x48xf32>, vector<1024x8xf32> -> vector<1024x388xf32>
    %get3A_73 = arith.constant 0 : index
    %get3A_74 = arith.constant 0 : index
    %get3A_75 = vector.load %arg13[%get3A_73, %get3A_74] : memref<388x500xf32, #tpu.memory_space<vmem>>, vector<388x500xf32>
    %dot_general3A = arith.constant dense<0.000000e+00> : vector<1024x500xf32>
    %dot_general3A_76 = tpu.matmul %concatenate3A, %get3A_75, %dot_general3A {dimension_numbers = #tpu.dot_dimension_numbers<[1], [0], [0], [1], [0, 0, 1, 1], [], []>, transpose_lhs_hint = false} : vector<1024x388xf32>, vector<388x500xf32>, vector<1024x500xf32> -> vector<1024x500xf32>
    %swap3A = arith.constant 0 : index
    %swap3A_77 = arith.constant 0 : index
    %swap3A_78 = vector.load %arg15[%swap3A, %swap3A_77] : memref<1024x500xf32, #tpu.memory_space<vmem>>, vector<1024x500xf32>
    tpu.vector_store %arg15[%swap3A, %swap3A_77], %dot_general3A_76 {strides = array<i32>} : memref<1024x500xf32, #tpu.memory_space<vmem>>, vector<1024x500xf32>,
    %get3A_79 = arith.constant 0 : index
    %get3A_80 = arith.constant 0 : index
    %get3A_81 = vector.load %arg10[%get3A_79, %get3A_80] : memref<128x1xi32, #tpu.memory_space<vmem>>, vector<128x1xi32>
    %iota3A_82 = tpu.iota {dimensions = array<i32: 1>} : vector<128x7xi32>
    %eq3A_83 = vector.broadcast %get3A_81 : vector<128x1xi32> to vector<128x7xi32>
    %eq3A_84 = arith.cmpi eq, %eq3A_83, %iota3A_82 : vector<128x7xi32>
    %convert_element_type3A_85 = arith.extui %eq3A_84 : vector<128x7xi1> to vector<128x7xi32>
    %convert_element_type3A_86 = arith.sitofp %convert_element_type3A_85 : vector<128x7xi32> to vector<128x7xf32>
    %get3A_87 = arith.constant 0 : index
    %get3A_88 = arith.constant 0 : index
    %get3A_89 = vector.load %arg11[%get3A_87, %get3A_88] : memref<128x1xi32, #tpu.memory_space<vmem>>, vector<128x1xi32>
    %iota3A_90 = tpu.iota {dimensions = array<i32: 1>} : vector<128x48xi32>
    %eq3A_91 = vector.broadcast %get3A_89 : vector<128x1xi32> to vector<128x48xi32>
    %eq3A_92 = arith.cmpi eq, %eq3A_91, %iota3A_90 : vector<128x48xi32>
    %convert_element_type3A_93 = arith.extui %eq3A_92 : vector<128x48xi1> to vector<128x48xi32>
    %convert_element_type3A_94 = arith.sitofp %convert_element_type3A_93 : vector<128x48xi32> to vector<128x48xf32>
    %get3A_95 = arith.constant 0 : index
    %get3A_96 = arith.constant 0 : index
    %get3A_97 = vector.load %arg12[%get3A_95, %get3A_96] : memref<128x8xf32, #tpu.memory_space<vmem>>, vector<128x8xf32>
    %concatenate3A_98 = tpu.concatenate %convert_element_type3A_86, %convert_element_type3A_94, %get3A_97 in 1 : vector<128x7xf32>, vector<128x48xf32>, vector<128x8xf32> -> vector<128x63xf32>
    %get3A_99 = arith.constant 0 : index
    %get3A_100 = arith.constant 0 : index
    %get3A_101 = vector.load %arg14[%get3A_99, %get3A_100] : memref<63x12xf32, #tpu.memory_space<vmem>>, vector<63x12xf32>
    %dot_general3A_102 = arith.constant dense<0.000000e+00> : vector<128x12xf32>
    %dot_general3A_103 = tpu.matmul %concatenate3A_98, %get3A_101, %dot_general3A_102 {dimension_numbers = #tpu.dot_dimension_numbers<[1], [0], [0], [1], [0, 0, 1, 1], [], []>, transpose_lhs_hint = false} : vector<128x63xf32>, vector<63x12xf32>, vector<128x12xf32> -> vector<128x12xf32>
    %swap3A_104 = arith.constant 0 : index
    %swap3A_105 = arith.constant 0 : index
    %swap3A_106 = vector.load %arg16[%swap3A_104, %swap3A_105] : memref<128x12xf32, #tpu.memory_space<vmem>>, vector<128x12xf32>
    tpu.vector_store %arg16[%swap3A_104, %swap3A_105], %dot_general3A_103 {strides = array<i32>} : memref<128x12xf32, #tpu.memory_space<vmem>>, vector<128x12xf32>,
    return
  }
  func.func @transform_0(%arg0: i32) -> (i32, i32) {
    %c0_i32 = arith.constant 0 : i32
    %c0_i32_0 = arith.constant 0 : i32
    return %arg0, %c0_i32 : i32, i32
  }
  func.func @transform_1(%arg0: i32) -> (i32, i32) {
    %c0_i32 = arith.constant 0 : i32
    %c0_i32_0 = arith.constant 0 : i32
    return %arg0, %c0_i32 : i32, i32
  }
  func.func @transform_2(%arg0: i32) -> (i32, i32) {
    %c0_i32 = arith.constant 0 : i32
    %c0_i32_0 = arith.constant 0 : i32
    return %arg0, %c0_i32 : i32, i32
  }
  func.func @transform_3(%arg0: i32) -> (i32, i32) {
    %c0_i32 = arith.constant 0 : i32
    %c0_i32_0 = arith.constant 0 : i32
    return %arg0, %c0_i32 : i32, i32
  }
  func.func @transform_4(%arg0: i32) -> (i32, i32) {
    %c0_i32 = arith.constant 0 : i32
    %c0_i32_0 = arith.constant 0 : i32
    return %arg0, %c0_i32 : i32, i32
  }
  func.func @transform_5(%arg0: i32) -> (i32, i32) {
    %c0_i32 = arith.constant 0 : i32
    %c0_i32_0 = arith.constant 0 : i32
    return %arg0, %c0_i32 : i32, i32
  }
  func.func @transform_6(%arg0: i32) -> (i32, i32) {
    %c0_i32 = arith.constant 0 : i32
    %c0_i32_0 = arith.constant 0 : i32
    return %arg0, %c0_i32 : i32, i32
  }
  func.func @transform_7(%arg0: i32) -> (i32, i32) {
    %c0_i32 = arith.constant 0 : i32
    %c0_i32_0 = arith.constant 0 : i32
    return %arg0, %c0_i32 : i32, i32
  }
  func.func @transform_8(%arg0: i32) -> (i32, i32) {
    %c0_i32 = arith.constant 0 : i32
    %c0_i32_0 = arith.constant 0 : i32
    return %arg0, %c0_i32 : i32, i32
  }
  func.func @transform_9(%arg0: i32) -> (i32, i32) {
    %c0_i32 = arith.constant 0 : i32
    %c0_i32_0 = arith.constant 0 : i32
    return %arg0, %c0_i32 : i32, i32
  }
  func.func @transform_10(%arg0: i32) -> (i32, i32) {
    %c0_i32 = arith.constant 0 : i32
    %c0_i32_0 = arith.constant 0 : i32
    return %arg0, %c0_i32 : i32, i32
  }
  func.func @transform_11(%arg0: i32) -> (i32, i32) {
    %c0_i32 = arith.constant 0 : i32
    %c0_i32_0 = arith.constant 0 : i32
    return %arg0, %c0_i32 : i32, i32
  }
  func.func @transform_12(%arg0: i32) -> (i32, i32) {
    %c0_i32 = arith.constant 0 : i32
    %c0_i32_0 = arith.constant 0 : i32
    %c0_i32_1 = arith.constant 0 : i32
    return %c0_i32, %c0_i32_0 : i32, i32
  }
  func.func @transform_13(%arg0: i32) -> (i32, i32) {
    %c0_i32 = arith.constant 0 : i32
    %c0_i32_0 = arith.constant 0 : i32
    %c0_i32_1 = arith.constant 0 : i32
    return %c0_i32, %c0_i32_0 : i32, i32
  }
  func.func @transform_14(%arg0: i32) -> (i32, i32) {
    %c0_i32 = arith.constant 0 : i32
    %c0_i32_0 = arith.constant 0 : i32
    return %arg0, %c0_i32 : i32, i32
  }
  func.func @transform_15(%arg0: i32) -> (i32, i32) {
    %c0_i32 = arith.constant 0 : i32
    %c0_i32_0 = arith.constant 0 : i32
    return %arg0, %c0_i32 : i32, i32
  }
}

</mosaic_0001>

<sc_bundles>
// kernel: sparse-core-data-format-call.cloned.1.call-start
scs
called_computation_lowered:
.L_overlay_start_0:
0x0: {  	s2 =	sld [smem:$0x3FD9]  }
0x1: {  	s3 =	sld [smem:$0x3FFE];
	_ =	sdelay $0x1  }
0x2: {  	s1 =	srdreg.scid  }
0x3: {  	s0 =	sand.u32 $0x1, s1  }
0x4: {  	s15 =	sshll.u32 s0, $0xA;
	s2 =	sadd.s32 s3, s2  }
0x5: {  	s2 =	sadd.s32 s2, s15  }
0x6: {  	[smem:$0x3FBB] =	sst s2  }
0x7: {  	_ = 	snop  }
0x8: {  	s2 =	sld [smem:$0x3FD0];
	_ =	sdelay $0x2  }
0x9: {  	s16 =	simm.s32 $0xA;
	s4 =	simm.s32 $0x10  }
0xa: {  	[smem:s4], [sflag:s16] =	dma.local [hbm:s2], $0x1  }
0xb: {  	_ =	swait.eq [sflag:s16], $0x1  }
0xc: {  	[sflag:s16] =	ssyncset.done $0x0  }
0xd: {  	[sflag:s16] =	ssyncadd.s32 $0xFFFFFFFF  }
0xe: {  	s17 =	sld [smem:$0x10];
	(tm) =	ssettm $0x1  }
0xf: {  	s18 =	sld [smem:$0x3FFB];
	_ =	sdelay $0x3  }
0x10: {  	_ =	strace s18  }
0x11: {  	s3 =	sld [smem:$0x3FFC];
	_ =	sdelay $0x3  }
0x12: {  	_ =	strace s3  }
0x13: {  	s3 =	sld [smem:$0x3FFD];
	_ =	sdelay $0x3  }
0x14: {  	_ =	strace s3  }
0x15: {  	_ =	strace $0x8FFFFFFF  }
0x16: {  	s19 =	sld [smem:$0x3FDB];
	_ =	sdelay $0x1  }
0x17: {  	s20 =	simm.s32 $_scs_section_size  }
0x18: {  	s5 =	simm.s32 $_size__tile_overlayer_lowered;
	s6 =	simm.s32 $_tile_overlayer_lowered  }
0x19: {  	s23 =	simm.s32 $0x1BFF;
	s22 =	sshll.u32 s6, $0x1;
	s3 =	sadd.s32 s20, s19  }
0x1a: {  	s7 =	simm.s32 $0x0;
	s21 =	sshll.u32 s5, $0x1;
	s5 =	sadd.s32 s22, s3  }
0x1b: {  	[timem:s7], [sflag:s23] =	dma.local [hbm:s5], s21  }
0x1c: {  	_ =	swait.ge [sflag:s23], s21  }
0x1d: {  	s4 =	ssub.s32 $0x0, s21;
	[sflag:s23] =	ssyncset.done $0x0  }
0x1e: {  	[sflag:s23] =	ssyncadd.s32 s4;
	_ =	sdelay $0x1  }
0x1f: {  	s24 =	simm.s32 $0x1B8B  }
0x20: {  	_ =	swait.ge [sflag:s24], $0x1  }
0x21: {  	[sflag:s24] =	ssyncset.done $0x0  }
0x22: {  	s26 =	simm.s32 $0x1B8E;
	s25 =	sld [smem:$0x3FFE];
	[sflag:s24] =	ssyncadd.s32 $0xFFFFFFFF  }
0x23: {  	s27 =	simm.s32 $execute0_lowered;
	[smem:$0x3FD2] =	sst s26  }
0x24: {  	s5 =	sshll.u32 s27, $0x1;
	_ =	strace $0x80000046;
	[dreg:$0x1] =	wrdreg $0xFFFFFFFF  }
0x25: {  	s28 =	simm.s32 $_size_execute0_lowered;
	s3 =	sadd.s32 s3, s5;
	[dreg:$0x0] =	wrdreg $0x0  }
0x26: {  	s5 =	sshll.u32 s28, $0x1;
	[dreg:$0x2] =	wrdreg s3  }
0x27: {  	[dreg:$0x3] =	wrdreg s5  }
0x28: {  	[dreg:$0x4] =	wrdreg $0xC0  }
0x29: {  	_ =	task [dreg:s7], $0x5FFFF  }
0x2a: {  	[dreg:$0x1] =	wrdreg $0xFFFFFFFF  }
0x2b: {  	[dreg:$0x0] =	wrdreg $0x60  }
0x2c: {  	[dreg:$0x2] =	wrdreg s25  }
0x2d: {  	[dreg:$0x3] =	wrdreg s17  }
0x2e: {  	[dreg:$0x4] =	wrdreg $0x9  }
0x2f: {  	_ =	task.clear_ibuf [dreg:s7], $0x5FFFF;
	_ =	strace $0x90000046  }
0x30: {  	s29 =	simm.s32 $0x9;
	_ =	strace $0x80000048  }
0x31: {  	_ =	swait.ge [sflag:s29], $0x1  }
0x32: {  	[sflag:s29] =	ssyncadd.s32 $0xFFFFFFFF  }
0x33: {  	_ =	strace $0x90000048  }
0x34: {  	_ =	sfence  }
0x35: {  	s30 =	sld [smem:$0x0];
	_ =	sdelay $0x2  }
0x36: {  	s31 =	sshll.u32 s1, $0xD;
	s1 =	sshrl.u32 s1, $0x2  }
0x37: {  	s3 =	sand.u32 $0x4000, s31;
	s1 =	sadd.s32 s1, s30  }
0x38: {  	s0 =	sor.u32 s3, s0;
	s1 =	sshll.u32 s1, $0x11  }
0x39: {  	s0 =	sor.u32 s1, s0  }
0x3a: {  	s0 =	sadd.s32 $0x8F2B, s0  }
0x3b: {  	[sflag:s0] =	ssyncadd.remote.s32 $0x1  }
0x3c: {  	_ =	sfence.sel $0xFFFF  }
0x3d: {  	[dreg:$0x0] =	wrdreg $0xFFFFFFFF;
	(pc) =	sbr.abs _section_cstart, $3  }
0x3e: {  	[dreg:$0x1] =	wrdreg $0xFFFFFFFF  }
0x3f: {  	_ =	task.clear_ibuf [dreg:s7], $0x2FFFF;
	_ =	strace $0x9FFFFFFF  }
0x40: {  	(tm) =	ssettm $0x7FFFFFFF  }
0x41: {  	_ =	shalt  }
tec
execute0_lowered:
.L_overlay_start_1:
0x0: {  	(tag) =	ssettag $0x1  }
0x1: {  	s0 =	srdreg.scid;
	s6 =	rddreg [dreg:$0x0]  }
0x2: {  	s3 =	rddreg [dreg:$0x1];
	s1 =	sshll.u32 s0, $0x4  }
0x3: {  	s5 =	simm.s32 $0x1;
	s0 =	stileid.u32;
	s1 =	sand.u32 $0x10, s1  }
0x4: {  	s31 =	simm.s32 $0x2;
	s18 =	simm.s32 $0x0;
	s1 =	sor.u32 s0, s1  }
0x5: {  	s8 =	simm.s32 $0xC8000;
	s17 =	simm.s32 $0x0;
	s2 =	sshll.u32 s1, $0x7  }
0x6: {  	s16 =	simm.s32 $0x0;
	s9 =	simm.s32 $0x0;
	s4 =	ssub.s32 $0x1000, s2  }
0x7: {  	s10 =	simm.s32 $0x0;
	s11 =	simm.s32 $0x0;
	s30 =	sand.u32 $0xF80, s4  }
0x8: {  	s12 =	simm.s32 $0x0;
	s13 =	simm.s32 $0x0;
	p0 =	sne.s32 s30, $0x0  }
.Ltmp0:
0x9: {  	s7 =	sshrl.u32 s4, $0xC;
	s5 =	simm.s32 @!p0 $0x0;
	(pc) =	sbr.rel .LBB1_1-.Ltmp0, $4  }
0xa: {  	s15 =	simm.s32 $0x0;
	s1 =	rddreg [dreg:$0x2];
	s5 =	sadd.s32 s5, s7  }
0xb: {  	_ =	strace $0x80000047;
	s4 =	simm.s32 $0x1;
	s5 =	smul.u32 $0x258, s5  }
0xc: {  	s6 =	sadd.s32 $0x603000, s6;
	s14 =	smov.u32 s2;
	[sflag:s4] =	ssyncpa.u1 $0x0  }
0xd: {  	[sflag:s31] =	ssyncpa.u1 $0x0;
	p0 =	por $0x0, $0x0;
	s7 =	sor.u32 $0x1, s5  }
.LBB1_4:
0xe: {  	s21 =	sshll.u32 s10, $0xC;
	s22 =	sshll.u32 s11, $0x3;
	p1 =	sgt.s32 s10, $0xC7  }
0xf: {  	s24 =	smov.u32 s10;
	s25 =	sshra.s32 s10, $0x1F;
	s26 =	smov.u32 s9  }
0x10: {  	s27 =	sshra.s32 s11, $0x1F;
	s30 =	sshra.s32 s9, $0x1F;
	s21 =	sand.u32 $0xFFFF8000, s21  }
0x11: {  	s23 =	sand.u32 $0xFFFFFC00, s22;
	s24 =	simm.s32 @!p1 $0xC7;
	p1 =	sgt.s32 s9, $0xC  }
0x12: {  	s25 =	sand.u32 s25, s10;
	s29 =	sand.u32 s27, s11;
	s27 =	sshll.u32 s10, $0x7  }
0x13: {  	s22 =	sand.u32 $0xC00, s22;
	s21 =	sadd.s32 s23, s21;
	s26 =	simm.s32 @!p1 $0xC  }
0x14: {  	s28 =	ssub.s32 s24, s25;
	p1 =	sgt.s32 s11, $0xF80;
	s25 =	smov.u32 s11  }
0x15: {  	s27 =	sand.u32 $0x380, s27;
	s24 =	sadd.s32 $0xFFFFFF39, s28;
	s25 =	simm.s32 @!p1 $0xF80  }
0x16: {  	s21 =	sshrl.u32 s21, $0xC;
	s23 =	ssub.s32 $0xC8, s28;
	p1 =	sgt.s32 s24, $0x0  }
0x17: {  	s24 =	ssub.s32 s25, s29;
	s25 =	sand.u32 s30, s9;
	s29 =	smulhi.u32 $0x147AE15, s21  }
0x18: {  	s30 =	sand.u32 $0x78, s11;
	s25 =	ssub.s32 s26, s25;
	s23 =	simm.s32 @p1 $0x0  }
0x19: {  	s31 =	sadd.s32 $0xFFFFF080, s24;
	s24 =	ssub.s32 $0x1000, s24;
	s22 =	sor.u32 s30, s22  }
0x1a: {  	p1 =	sgt.s32 s31, $0x7F;
	s28 =	sadd.s32 $0xFFFFFFF4, s25;
	s26 =	smul.u32 $0xC8, s29  }
0x1b: {  	s25 =	ssub.s32 $0x14, s25;
	s31 =	smul.u32 $0x19000, s9;
	s24 =	simm.s32 @p1 $0x0  }
0x1c: {  	s22 =	sor.u32 s27, s22;
	p1 =	sgt.s32 s28, $0x7;
	s23 =	smul.u32 s24, s23  }
0x1d: {  	s22 =	sshrl.u32 s22, $0x3;
	s28 =	sand.u32 $0x7, s11;
	s25 =	simm.s32 @p1 $0x0  }
0x1e: {  	s21 =	ssub.s32 s21, s26;
	s24 =	sadd.s32 s3, s31;
	s23 =	smul.u32 s25, s23  }
0x1f: {  	s29 =	sshll.u32 s28, $0x12;
	s21 =	sshll.u32 s21, $0x9;
	s22 =	sadd.s32 s22, s24  }
0x20: {  	[tilespmem:s20+$0x0 ss:$0x81] =	vst.msk $0xff, v0;
	s31 =	sor.u32 $0x80, s29;
	s21 =	sadd.s32 s21, s22;
	s30 =	sand.u32 $0x3FFFFFFF, s23  }
0x21: {  	[hbm4b:s21+s31] =	stream.strided.scatter [tilespmem:s19], [sflag:$0x2], s30, s8, s31, $0x20;
	[tilespmem:$0x1010] =	vst v63  }
.LBB1_5:
0x22: {  	p1 =	slt.u32 s15, $0x2  }
0x23: {  	p2 =	sgt.s32 @!p1 s18, $0xC  }
0x24: {  	s19 =	smov.u32 s18;
	s20 =	sshra.s32 @!p1 s18, $0x1F;
	p2 =	por !p2, p1  }
0x25: {  	s18 =	sand.u32 @!p1 s20, s18;
	s19 =	simm.s32 @p2 $0xC  }
0x26: {  	s20 =	sshra.s32 @!p1 s17, $0x1F;
	p2 =	sgt.s32 @!p1 s17, $0xC7;
	s18 =	ssub.s32 @!p1 s19, s18  }
0x27: {  	p2 =	por !p2, p1;
	s19 =	smov.u32 s17;
	s17 =	sand.u32 @!p1 s20, s17  }
0x28: {  	s20 =	sshra.s32 @!p1 s16, $0x1F;
	s19 =	simm.s32 @p2 $0xC7;
	p2 =	sgt.s32 @!p1 s16, $0xF80  }
0x29: {  	s17 =	ssub.s32 @!p1 s19, s17;
	p2 =	por !p2, p1;
	s19 =	smov.u32 s16  }
0x2a: {  	s16 =	sand.u32 @!p1 s20, s16;
	s20 =	sadd.s32 @!p1 $0xFFFFFF39, s17;
	s19 =	simm.s32 @p2 $0xF80  }
0x2b: {  	p2 =	sgt.s32 @!p1 s20, $0x0;
	s16 =	ssub.s32 @!p1 s19, s16  }
0x2c: {  	s17 =	ssub.s32 @!p1 $0xC8, s17;
	p2 =	por !p2, p1;
	s19 =	sadd.s32 @!p1 $0xFFFFF080, s16  }
0x2d: {  	s17 =	simm.s32 @!p2 $0x0;
	p2 =	sgt.s32 @!p1 s19, $0x7F  }
0x2e: {  	s21 =	smov.u32 s14;
	s16 =	ssub.s32 @!p1 $0x1000, s16;
	p2 =	por !p2, p1  }
0x2f: {  	s20 =	sadd.s32 @!p1 $0xFFFFFFF4, s18;
	s19 =	sadd.s32 $0x8, s12;
	s16 =	simm.s32 @!p2 $0x0  }
0x30: {  	p2 =	sgt.s32 s19, $0x13;
	s16 =	smul.u32 @!p1 s16, s17;
	s17 =	simm.s32 $0x1  }
0x31: {  	p0 =	por !p0, !p0;
	p3 =	sgt.s32 @!p1 s20, $0x7;
	s17 =	simm.s32 @!p2 $0x0  }
0x32: {  	s18 =	ssub.s32 @!p1 $0x14, s18;
	p3 =	por !p3, p1;
	s20 =	sadd.s32 s17, s13  }
0x33: {  	s18 =	simm.s32 @!p3 $0x0;
	s17 =	sadd.s32 $0x1000, s14;
	p3 =	sgt.s32 s20, $0xC7  }
0x34: {  	s22 =	simm.s32 @!p1 $0x2;
	s19 =	simm.s32 @p2 $0x0;
	s21 =	smov.u32 @p3 s17  }
0x35: {  	s16 =	smul.u32 @!p1 s18, s16;
	s18 =	smov.u32 s9;
	p2 =	sgt.s32 s21, $0xFFF  }
0x36: {  	s9 =	smov.u32 s12;
	s21 =	smov.u32 @p2 s2;
	p2 =	sne.s32 s15, s7  }
.Ltmp1:
0x37: {  	s12 =	smov.u32 s19;
	s16 =	sand.u32 @!p1 $0x3FFFFFFF, s16;
	(pc) =	sbr.rel @!p2 .LBB1_6-.Ltmp1, $4  }
0x38: {  	s20 =	simm.s32 @p3 $0x0;
	s17 =	smov.u32 s10;
	s10 =	smov.u32 s13  }
0x39: {  	_ =	swait.ge @!p1 [sflag:s22], s16;
	s23 =	ssub.s32 @!p1 $0x0, s16;
	s16 =	smov.u32 s11  }
0x3a: {  	s11 =	smov.u32 s14;
	s13 =	smov.u32 s20;
	[sflag:s22] =	ssyncset.done @!p1 $0x0  }
0x3b: {  	s15 =	sadd.s32 $0x1, s15;
	[sflag:s22] =	ssyncadd.s32 @!p1 s23;
	s14 =	smov.u32 s21  }
.LBB1_1:
0x3c: {  	p1 =	sge.u32 s15, s5  }
0x3d: {  	s19 =	sshll.u32 @!p1 s13, $0x7;
	s20 =	sshll.u32 @!p1 s12, $0x3  }
0x3e: {  	s21 =	sand.u32 @!p1 $0xFFFFFC00, s19;
	s20 =	sand.u32 @!p1 $0xFFFFFC00, s20  }
0x3f: {  	s19 =	sand.u32 @!p1 $0x380, s19;
	s20 =	sadd.s32 @!p1 s21, s20  }
0x40: {  	s19 =	sor.u32 @!p1 s19, s20  }
0x41: {  	s19 =	sshrl.u32 @!p1 s19, $0x7  }
0x42: {  	s20 =	smulhi.u32 @!p1 $0x147AE15, s19;
	_ =	sdelay $0x1  }
0x43: {  	s20 =	smul.u32 @!p1 $0xC8, s20  }
0x44: {  	s21 =	smul.u32 @!p1 $0xC80, s14  }
0x45: {  	s31 =	sadd.s32 $0xFFFFFFFF, s15;
	s19 =	ssub.s32 @!p1 s19, s20;
	s20 =	sshrl.u32 @!p1 s12, $0x3  }
0x46: {  	s22 =	sxor.u32 @!p1 $0xFFFFFFFF, s15;
	s21 =	sadd.s32 @!p1 s6, s21;
	s20 =	sand.u32 @!p1 $0xF, s20  }
0x47: {  	s22 =	sshll.u32 @!p1 s22, $0xA;
	s20 =	sadd.s32 @!p1 s20, s21;
	s21 =	sand.u32 @!p1 $0x7, s12  }
0x48: {  	s22 =	sand.u32 @!p1 $0x400, s22;
	s19 =	sshll.u32 @!p1 s19, $0x4;
	s21 =	sshll.u32 @!p1 s21, $0x12  }
0x49: {  	s19 =	sadd.s32 @!p1 s19, s20;
	s20 =	sor.u32 @!p1 $0x8, s21;
	s21 =	simm.s32 @!p1 $0x6400  }
0x4a: {  	[tilespmem:s22], [sflag:$0x1] =	stream.strided.gather @!p1 [hbm4b:s19+s20], $0x400, s21, s20, $0x38;
	[tilespmem:$0x1010] =	vst v63  }
0x4b: {  	p1 =	sge.u32 s31, s5  }
.Ltmp2:
0x4c: {  	_ = 	snop;
	(pc) =	sbr.rel @p1 .LBB1_5-.Ltmp2, $1  }
0x4d: {  	_ =	sdelay $0x3  }
0x4e: {  	s19 =	simm.s32 $0x1  }
0x4f: {  	s19 =	simm.s32 @!p0 $0x0  }
0x50: {  	s20 =	sshll.u32 s19, $0xA  }
0x51: {  	v1 =	vmov s20;
	_ =	sdelay $0x1  }
0x52: {  	_ =	swait.ge [sflag:s4], $0x400  }
0x53: {  	s31 =	sand.u32 $0x1, s15;
	[sflag:s4] =	ssyncset.done $0x0  }
0x54: {  	s22 =	simm.s32 $0x0;
	s19 =	smul.u32 $0x1020, s19;
	[sflag:s4] =	ssyncadd.s32 $0xFFFFFC00  }
0x55: {  	s20 =	smul.u32 $0x1020, s31;
	v0 =	vld.idx.msk [tilespmem:v1+s22+$0x0 ss:$0x1], $0xff;
	_ =	sdelay $0x1  }
0x56: {  	s19 =	sshrl.u32 s19, $0x2;
	s21 =	sshrl.u32 s20, $0x2  }
0x57: {  	s20 =	sor.u32 $0x800, s19;
	s19 =	sor.u32 $0x800, s21;
	s21 =	simm.s32 $0x20  }
.LBB1_3:
0x58: {  	s22 =	sshra.s32 s21, $0x2;
	p1 =	sne.s32 s21, $0xFE0;
	s21 =	sadd.s32 $0x20, s21  }
.Ltmp3:
0x59: {  	[tilespmem:s20+$0x0 ss:$0x81] =	vst.msk $0xff, v0;
	v0 =	vld.idx.msk [tilespmem:v1+s22+$0x0 ss:$0x1], $0xff;
	(pc) =	sbr.rel @p1 .LBB1_3-.Ltmp3, $2  }
0x5a: {  	_ =	sdelay $0x2  }
0x5b: {  	s20 =	sadd.s32 $0x1, s20  }
.Ltmp4:
0x5c: {  	_ = 	snop;
	(pc) =	sbr.rel .LBB1_4-.Ltmp4, $1  }
0x5d: {  	_ =	sdelay $0x3  }
.LBB1_6:
0x5e: {  	_ =	sfence.sel $0x180000  }
0x5f: {  	s2 =	simm.s32 $0x1;
	[bflag:$0x0] =	sbarrier.arrive $0xFFFF  }
0x60: {  	s31 =	simm.s32 $0x2;
	[sflag:s2] =	ssyncpa.u1 $0x1  }
0x61: {  	[sflag:s31] =	ssyncpa.u1 $0x1  }
0x62: {  	p0 =	sne.s32 s0, $0x0;
	_ =	strace $0x90000047  }
0x63: {  	s0 =	sadd.s32 @!p0 $0x100000, s1;
	[bflag:$0x2] =	sbarrier.arrive $0xFFFF  }
0x64: {  	[sflag:s0] =	ssyncadd.tile.s32 @!p0 $0x1;
	_ =	shalt  }
.Lfunc_end1:
_tile_overlayer_lowered:
.L_overlay_start_2:
0x65: {  	(tag) =	ssettag $0x2  }
0x66: {  	s0 =	rddreg [dreg:$0x0];
	s2 =	stileid.u32  }
0x67: {  	s1 =	rddreg [dreg:$0x1];
	p0 =	sne.s32 s2, $0x0  }
0x68: {  	s3 =	rddreg [dreg:$0x2];
	[bflag:$0x3] =	sbarrier.arrive $0xFFFF;
	s2 =	simm.s32 @!p0 $0x1C01  }
0x69: {  	[timem:s3], [sflag:s2] =	dma.local @!p0 [hbm:s0], s1  }
0x6a: {  	s0 =	simm.s32 @!p0 $0x1  }
0x6b: {  	_ =	swait.ge @!p0 [sflag:s0], s1  }
0x6c: {  	s1 =	ssub.s32 @!p0 $0x0, s1;
	[sflag:s0] =	ssyncset.done @!p0 $0x0  }
0x6d: {  	[sflag:s0] =	ssyncadd.s32 @!p0 s1  }
0x6e: {  	[bflag:$0x3] =	sbarrier.arrive $0xFFFF  }
0x6f: {  	_ =	shalt  }

</sc_bundles>
